<compile_context>
chip_gen: v7x
topology: tpu7x:2x2x1
jax: 0.10.2.dev20260603
libtpu: 0.0.44.dev20260713+nightly
codegen_flags: <defaults>
</compile_context>

<pallas_src>
import functools

import jax
import jax.numpy as jnp
from jax.experimental import pallas as pl
from jax.experimental.pallas import tpu as pltpu
from jax.experimental.pallas import tpu_sc as plsc

N_EMBED = 8192
HALF = N_EMBED // 2
DIM = 32
BETA = 0.25
N_TOKENS = 16 * 1024
BLK_T = 1024
N_BLKS = N_TOKENS // BLK_T

NUM_CORES = 2
NUM_SUBCORES = 16
NUM_WORKERS = NUM_CORES * NUM_SUBCORES
BPW = N_TOKENS // NUM_WORKERS
GATHER_W = 128


def _vq_tc_kernel(lat_ref, emb_ref, l2_ref, e2_ref, ind_ref, loss_ref,
                  sse_ref):
    step = pl.program_id(0)

    @pl.when(step == 0)
    def _init():
        sse_ref[...] = jnp.zeros_like(sse_ref)

    lat = lat_ref[...]
    emb = emb_ref[...]

    lat16 = (2.0 * lat).astype(jnp.bfloat16)
    l2 = l2_ref[...]
    conv0 = jax.lax.dot_general(
        lat16, emb[:HALF], (((1,), (1,)), ((), ())),
        preferred_element_type=jnp.float32)
    n0 = (conv0 - l2) - e2_ref[:, :HALF]
    v0 = jnp.max(n0, axis=1)
    j0 = jnp.argmax(n0, axis=1)
    conv1 = jax.lax.dot_general(
        lat16, emb[HALF:], (((1,), (1,)), ((), ())),
        preferred_element_type=jnp.float32)
    n1 = (conv1 - l2) - e2_ref[:, HALF:]
    v1 = jnp.max(n1, axis=1)
    j1 = jnp.argmax(n1, axis=1) + HALF
    v0r = v0.astype(jnp.bfloat16).astype(jnp.float32)
    take1 = v1 > v0r
    idx = jnp.where(take1, j1, j0)
    vsel = jnp.where(take1, v1, v0)

    sse_ref[...] += jnp.sum(-vsel).reshape(1, 1)
    ind_ref[0, 0, :] = idx

    @pl.when(step == N_BLKS - 1)
    def _finish():
        mean1 = sse_ref[...] / jnp.float32(N_TOKENS * DIM)
        loss_ref[...] = mean1 + jnp.float32(BETA) * mean1


_sc_mesh = plsc.VectorSubcoreMesh(core_axis_name="c", subcore_axis_name="s")


@functools.partial(
    pl.kernel,
    mesh=_sc_mesh,
    out_type=[
        jax.ShapeDtypeStruct((N_TOKENS, GATHER_W), jnp.float32),
        jax.ShapeDtypeStruct((NUM_CORES, N_EMBED), jnp.float32),
    ],
    scratch_types=[
        pltpu.VMEM((BPW,), jnp.int32),
        pltpu.VMEM((BPW, GATHER_W), jnp.float32),
        pltpu.VMEM((BPW,), jnp.float32),
        pltpu.VMEM_SHARED((N_EMBED,), jnp.float32),
        pltpu.SemaphoreType.DMA,
    ],
)
def _sc_gather_hist(emb_hbm, idx_hbm, zeros_hbm, ones_hbm, out_hbm,
                    counts_hbm, idx_v, rows_v, ones_v, shared, sem):
    cid = jax.lax.axis_index("c")
    sid = jax.lax.axis_index("s")
    wid = sid * NUM_CORES + cid
    base = wid * BPW

    @pl.when(sid == 0)
    def _init():
        pltpu.sync_copy(zeros_hbm, shared)

    pltpu.sync_copy(idx_hbm.at[pl.ds(base, BPW)], idx_v)
    pltpu.sync_copy(ones_hbm, ones_v)
    pltpu.async_copy(emb_hbm.at[idx_v], rows_v, sem).wait()
    pltpu.sync_copy(rows_v, out_hbm.at[pl.ds(base, BPW)])
    plsc.subcore_barrier()
    pltpu.sync_copy(ones_v, shared.at[idx_v], add=True)
    plsc.subcore_barrier()

    @pl.when(sid == 0)
    def _writeback():
        pltpu.sync_copy(shared, counts_hbm.at[cid])


def _unused_tc_kernel(counts_ref, unused_ref):
    total = counts_ref[0, :] + counts_ref[1, :]
    unused_ref[...] = jnp.sum((total == 0.0).astype(jnp.int32)).reshape(1, 1)


@jax.jit
def kernel(x, embed_weight):
    latent = x.reshape(N_TOKENS, DIM)
    l2 = (latent ** 2).sum(axis=1, keepdims=True)
    e2 = (embed_weight ** 2).sum(axis=1, keepdims=True).T
    ind, loss = pl.pallas_call(
        _vq_tc_kernel,
        grid=(N_BLKS,),
        in_specs=[
            pl.BlockSpec((BLK_T, DIM), lambda i: (i, 0)),
            pl.BlockSpec((N_EMBED, DIM), lambda i: (0, 0)),
            pl.BlockSpec((BLK_T, 1), lambda i: (i, 0)),
            pl.BlockSpec((1, N_EMBED), lambda i: (0, 0)),
        ],
        out_specs=[
            pl.BlockSpec((1, 1, BLK_T), lambda i: (i, 0, 0)),
            pl.BlockSpec((1, 1), lambda i: (0, 0)),
        ],
        out_shape=[
            jax.ShapeDtypeStruct((N_BLKS, 1, BLK_T), jnp.int32),
            jax.ShapeDtypeStruct((1, 1), jnp.float32),
        ],
        scratch_shapes=[
            pltpu.VMEM((1, 1), jnp.float32),
        ],
    )(latent, embed_weight, l2, e2)
    idx_flat = ind.reshape(N_TOKENS)
    emb_pad = jnp.pad(embed_weight, ((0, 0), (0, GATHER_W - DIM)))
    zeros = jnp.zeros((N_EMBED,), jnp.float32)
    ones = jnp.ones((BPW,), jnp.float32)
    xq, counts = _sc_gather_hist(emb_pad, idx_flat, zeros, ones)
    unused = pl.pallas_call(
        _unused_tc_kernel,
        out_shape=jax.ShapeDtypeStruct((1, 1), jnp.int32),
    )(counts)
    x_q_st = xq[:, :DIM].reshape(x.shape)
    embed_ind = idx_flat.reshape(x.shape[:-1])
    return (x_q_st, loss.reshape(()), unused.reshape(()), embed_ind)

# --- scband reference (transcript-rebuilt; emitter-appended) ---
"""Pipeline reference for scband-vqlayer-57286273794526 (READ-ONLY COPY).

The authoritative reference and input builder live on the scoring server;
editing this copy changes nothing except your own understanding.
"""

import jax, jax.numpy as jnp
import numpy as np

N_EMBED = 8192
DIM = 32
BETA = 0.25


def setup_inputs(seed: int = 0) -> dict:
    key = jax.random.key(seed)
    k1, k2 = jax.random.split(key)
    x = jax.random.normal(k1, (16, 1024, DIM), dtype=jnp.float32)
    embed_weight = jax.random.normal(k2, (N_EMBED, DIM), dtype=jnp.float32)
    return {"x": x, "embed_weight": embed_weight}


def reference(x, embed_weight):
    latent = x.reshape(-1, DIM)
    dist = (latent ** 2).sum(axis=1, keepdims=True) \
        - 2.0 * latent @ embed_weight.T \
        + (embed_weight ** 2).sum(axis=1, keepdims=True).T
    embed_ind = jnp.argmax(-dist, axis=1)
    # embed_onehot.sum(0) == bincount over codes (same math, avoids 16384x8192 one-hot)
    embed_onehot_sum = jnp.bincount(embed_ind, length=N_EMBED)
    unused_codes = (embed_onehot_sum == 0).sum()
    x_q = jnp.take(embed_weight, embed_ind, axis=0).reshape(x.shape)
    quant_loss = jnp.mean((x_q - jax.lax.stop_gradient(x)) ** 2) \
        + BETA * jnp.mean((x - jax.lax.stop_gradient(x_q)) ** 2)
    x_q_st = x + jax.lax.stop_gradient(x_q - x)
    embed_ind_out = embed_ind.reshape(x.shape[:-1])
    return (x_q_st, quant_loss, unused_codes, embed_ind_out)

if __name__ == "__main__":
    import jax
    _d = setup_inputs()
    print(jax.jit(kernel)(*tuple(_d.values())))

</pallas_src>

<mosaic_0001>
#map = affine_map<(d0, d1) -> (0, 0)>
#map1 = affine_map<(d0, d1) -> (0)>
module attributes {stable_mosaic.version = 14 : i64} {
  func.func @_sc_gather_hist(%arg0: i32, %arg1: i32, %arg2: memref<8192x128xf32, #tpu.memory_space<hbm>>, %arg3: memref<16384xi32, #tpu.memory_space<hbm>>, %arg4: memref<8192xf32, #tpu.memory_space<hbm>>, %arg5: memref<512xf32, #tpu.memory_space<hbm>>, %arg6: memref<16384x128xf32, #tpu.memory_space<hbm>>, %arg7: memref<2x8192xf32, #tpu.memory_space<hbm>>, %arg8: memref<512xi32, #tpu.memory_space<vmem>>, %arg9: memref<512x128xf32, #tpu.memory_space<vmem>>, %arg10: memref<512xf32, #tpu.memory_space<vmem>>, %arg11: memref<8192xf32, #tpu.memory_space<vmem_shared>>, %arg12: memref<!tpu.dma_semaphore, #tpu.memory_space<semaphore_mem>>) attributes {dimension_semantics = [#tpu.dimension_semantics<core_parallel>, #tpu.dimension_semantics<subcore_parallel>], iteration_bounds = array<i64: 2, 16>, scalar_prefetch = 0 : i64, scratch_operands = 5 : i64, tpu.core_type = #tpu.core_type<sc_vector_subcore>, window_params = [{transform_indices = #map}, {transform_indices = #map1}, {transform_indices = #map1}, {transform_indices = #map1}, {transform_indices = #map}, {transform_indices = #map}]} {
    %mul3A = arith.constant 2 : i32
    %mul3A_0 = arith.muli %arg1, %mul3A : i32
    %add3A = arith.addi %mul3A_0, %arg0 : i32
    %mul3A_1 = arith.constant 512 : i32
    %mul3A_2 = arith.muli %add3A, %mul3A_1 : i32
    %eq3A = arith.constant 0 : i32
    %eq3A_3 = arith.cmpi eq, %arg1, %eq3A : i32
    %convert_element_type3A = arith.extui %eq3A_3 : i1 to i32
    %cond3A = arith.constant 0 : i32
    %cond3A_4 = arith.cmpi ne, %convert_element_type3A, %cond3A : i32
    scf.if %cond3A_4 {
      "tpu.region"() ({
        %run_scoped3A = tpu.sem_alloc : memref<!tpu.dma_semaphore, #tpu.memory_space<semaphore_mem>>
        tpu.enqueue_dma source(%arg4 : memref<8192xf32, #tpu.memory_space<hbm>>) target(%arg11 : memref<8192xf32, #tpu.memory_space<vmem_shared>>) target_semaphore(%run_scoped3A : memref<!tpu.dma_semaphore, #tpu.memory_space<semaphore_mem>>)
        tpu.wait_dma2 semaphore(%run_scoped3A : memref<!tpu.dma_semaphore, #tpu.memory_space<semaphore_mem>>) src(%arg4 : memref<8192xf32, #tpu.memory_space<hbm>>) dst(%arg11 : memref<8192xf32, #tpu.memory_space<vmem_shared>>)
        tpu.yield
      }) : () -> ()
    } else {
    }
    "tpu.region"() ({
      %run_scoped3A = tpu.sem_alloc : memref<!tpu.dma_semaphore, #tpu.memory_space<semaphore_mem>>
      %dma_start3A_15 = tpu.memref_slice %arg3[%mul3A_2] : memref<16384xi32, #tpu.memory_space<hbm>> -> memref<512xi32, #tpu.memory_space<hbm>>
      %dma_start3A_16 = tpu.memref_slice %arg3[%mul3A_2] : memref<16384xi32, #tpu.memory_space<hbm>> -> memref<512xi32, #tpu.memory_space<hbm>>
      tpu.enqueue_dma source(%dma_start3A_16 : memref<512xi32, #tpu.memory_space<hbm>>) target(%arg8 : memref<512xi32, #tpu.memory_space<vmem>>) target_semaphore(%run_scoped3A : memref<!tpu.dma_semaphore, #tpu.memory_space<semaphore_mem>>)
      %dma_wait3A_17 = tpu.memref_slice %arg3[%mul3A_2] : memref<16384xi32, #tpu.memory_space<hbm>> -> memref<512xi32, #tpu.memory_space<hbm>>
      %dma_wait3A_18 = tpu.memref_slice %arg3[%mul3A_2] : memref<16384xi32, #tpu.memory_space<hbm>> -> memref<512xi32, #tpu.memory_space<hbm>>
      tpu.wait_dma2 semaphore(%run_scoped3A : memref<!tpu.dma_semaphore, #tpu.memory_space<semaphore_mem>>) src(%dma_wait3A_18 : memref<512xi32, #tpu.memory_space<hbm>>) dst(%arg8 : memref<512xi32, #tpu.memory_space<vmem>>)
      tpu.yield
    }) : () -> ()
    "tpu.region"() ({
      %run_scoped3A = tpu.sem_alloc : memref<!tpu.dma_semaphore, #tpu.memory_space<semaphore_mem>>
      tpu.enqueue_dma source(%arg5 : memref<512xf32, #tpu.memory_space<hbm>>) target(%arg10 : memref<512xf32, #tpu.memory_space<vmem>>) target_semaphore(%run_scoped3A : memref<!tpu.dma_semaphore, #tpu.memory_space<semaphore_mem>>)
      tpu.wait_dma2 semaphore(%run_scoped3A : memref<!tpu.dma_semaphore, #tpu.memory_space<semaphore_mem>>) src(%arg5 : memref<512xf32, #tpu.memory_space<hbm>>) dst(%arg10 : memref<512xf32, #tpu.memory_space<vmem>>)
      tpu.yield
    }) : () -> ()
    %dma_start3A = arith.constant 0 : i32
    %dma_start3A_5 = arith.constant 0 : i32
    %dma_start3A_6 = tpu.memref_slice %arg2[%dma_start3A, %dma_start3A_5] : memref<8192x128xf32, #tpu.memory_space<hbm>> -> memref<8192x128xf32, #tpu.memory_space<hbm>>
    tpu.enqueue_indirect_dma source(%dma_start3A_6 : memref<8192x128xf32, #tpu.memory_space<hbm>>) target(%arg9 : memref<512x128xf32, #tpu.memory_space<vmem>>) offsets(%arg8 : memref<512xi32, #tpu.memory_space<vmem>>) semaphore(%arg12 : memref<!tpu.dma_semaphore, #tpu.memory_space<semaphore_mem>>)
    %dma_wait3A = arith.constant 0 : i32
    %dma_wait3A_7 = arith.constant 0 : i32
    %dma_wait3A_8 = tpu.memref_slice %arg2[%dma_wait3A, %dma_wait3A_7] : memref<8192x128xf32, #tpu.memory_space<hbm>> -> memref<8192x128xf32, #tpu.memory_space<hbm>>
    tpu.wait_indirect_dma semaphore(%arg12 : memref<!tpu.dma_semaphore, #tpu.memory_space<semaphore_mem>>) src(%dma_wait3A_8 : memref<8192x128xf32, #tpu.memory_space<hbm>>) dst(%arg9 : memref<512x128xf32, #tpu.memory_space<vmem>>)
    "tpu.region"() ({
      %run_scoped3A = tpu.sem_alloc : memref<!tpu.dma_semaphore, #tpu.memory_space<semaphore_mem>>
      %dma_start3A_15 = arith.constant 0 : i32
      %dma_start3A_16 = tpu.memref_slice %arg6[%mul3A_2, %dma_start3A_15] : memref<16384x128xf32, #tpu.memory_space<hbm>> -> memref<512x128xf32, #tpu.memory_space<hbm>>
      %dma_start3A_17 = arith.constant 0 : i32
      %dma_start3A_18 = tpu.memref_slice %arg6[%mul3A_2, %dma_start3A_17] : memref<16384x128xf32, #tpu.memory_space<hbm>> -> memref<512x128xf32, #tpu.memory_space<hbm>>
      tpu.enqueue_dma source(%arg9 : memref<512x128xf32, #tpu.memory_space<vmem>>) target(%dma_start3A_18 : memref<512x128xf32, #tpu.memory_space<hbm>>) target_semaphore(%run_scoped3A : memref<!tpu.dma_semaphore, #tpu.memory_space<semaphore_mem>>)
      %dma_wait3A_19 = arith.constant 0 : i32
      %dma_wait3A_20 = tpu.memref_slice %arg6[%mul3A_2, %dma_wait3A_19] : memref<16384x128xf32, #tpu.memory_space<hbm>> -> memref<512x128xf32, #tpu.memory_space<hbm>>
      %dma_wait3A_21 = arith.constant 0 : i32
      %dma_wait3A_22 = tpu.memref_slice %arg6[%mul3A_2, %dma_wait3A_21] : memref<16384x128xf32, #tpu.memory_space<hbm>> -> memref<512x128xf32, #tpu.memory_space<hbm>>
      tpu.wait_dma2 semaphore(%run_scoped3A : memref<!tpu.dma_semaphore, #tpu.memory_space<semaphore_mem>>) src(%arg9 : memref<512x128xf32, #tpu.memory_space<vmem>>) dst(%dma_wait3A_22 : memref<512x128xf32, #tpu.memory_space<hbm>>)
      tpu.yield
    }) : () -> ()
    %barrier3A = arith.constant 0 : index
    tpu.barrier barrier_id(%barrier3A)
    "tpu.region"() ({
      %run_scoped3A = tpu.sem_alloc : memref<!tpu.dma_semaphore, #tpu.memory_space<semaphore_mem>>
      %dma_start3A_15 = arith.constant 0 : i32
      %dma_start3A_16 = tpu.memref_slice %arg11[%dma_start3A_15] : memref<8192xf32, #tpu.memory_space<vmem_shared>> -> memref<8192xf32, #tpu.memory_space<vmem_shared>>
      tpu.enqueue_indirect_dma source(%arg10 : memref<512xf32, #tpu.memory_space<vmem>>) target(%dma_start3A_16 : memref<8192xf32, #tpu.memory_space<vmem_shared>>) offsets(%arg8 : memref<512xi32, #tpu.memory_space<vmem>>) semaphore(%run_scoped3A : memref<!tpu.dma_semaphore, #tpu.memory_space<semaphore_mem>>) {add = true}
      %dma_wait3A_17 = arith.constant 0 : i32
      %dma_wait3A_18 = tpu.memref_slice %arg11[%dma_wait3A_17] : memref<8192xf32, #tpu.memory_space<vmem_shared>> -> memref<8192xf32, #tpu.memory_space<vmem_shared>>
      tpu.wait_indirect_dma semaphore(%run_scoped3A : memref<!tpu.dma_semaphore, #tpu.memory_space<semaphore_mem>>) src(%arg10 : memref<512xf32, #tpu.memory_space<vmem>>) dst(%dma_wait3A_18 : memref<8192xf32, #tpu.memory_space<vmem_shared>>)
      tpu.yield
    }) : () -> ()
    %barrier3A_9 = arith.constant 0 : index
    tpu.barrier barrier_id(%barrier3A_9)
    %eq3A_10 = arith.constant 0 : i32
    %eq3A_11 = arith.cmpi eq, %arg1, %eq3A_10 : i32
    %convert_element_type3A_12 = arith.extui %eq3A_11 : i1 to i32
    %cond3A_13 = arith.constant 0 : i32
    %cond3A_14 = arith.cmpi ne, %convert_element_type3A_12, %cond3A_13 : i32
    scf.if %cond3A_14 {
      "tpu.region"() ({
        %run_scoped3A = tpu.sem_alloc : memref<!tpu.dma_semaphore, #tpu.memory_space<semaphore_mem>>
        %dma_start3A_15 = arith.constant 0 : i32
        %dma_start3A_16 = tpu.memref_slice %arg7[%arg0, %dma_start3A_15] : memref<2x8192xf32, #tpu.memory_space<hbm>> -> memref<1x8192xf32, #tpu.memory_space<hbm>>
        %dma_start3A_17 = tpu.memref_squeeze %dma_start3A_16 : memref<1x8192xf32, #tpu.memory_space<hbm>> -> memref<8192xf32, #tpu.memory_space<hbm>>
        tpu.enqueue_dma source(%arg11 : memref<8192xf32, #tpu.memory_space<vmem_shared>>) target(%dma_start3A_17 : memref<8192xf32, #tpu.memory_space<hbm>>) target_semaphore(%run_scoped3A : memref<!tpu.dma_semaphore, #tpu.memory_space<semaphore_mem>>)
        %dma_wait3A_18 = arith.constant 0 : i32
        %dma_wait3A_19 = tpu.memref_slice %arg7[%arg0, %dma_wait3A_18] : memref<2x8192xf32, #tpu.memory_space<hbm>> -> memref<1x8192xf32, #tpu.memory_space<hbm>>
        %dma_wait3A_20 = tpu.memref_squeeze %dma_wait3A_19 : memref<1x8192xf32, #tpu.memory_space<hbm>> -> memref<8192xf32, #tpu.memory_space<hbm>>
        tpu.wait_dma2 semaphore(%run_scoped3A : memref<!tpu.dma_semaphore, #tpu.memory_space<semaphore_mem>>) src(%arg11 : memref<8192xf32, #tpu.memory_space<vmem_shared>>) dst(%dma_wait3A_20 : memref<8192xf32, #tpu.memory_space<hbm>>)
        tpu.yield
      }) : () -> ()
    } else {
    }
    return
  }
}

module attributes {stable_mosaic.version = 14 : i64} {
  func.func @_vq_tc_kernel(%arg0: i32, %arg1: memref<1024x32xf32, #tpu.memory_space<vmem>>, %arg2: memref<8192x32xf32, #tpu.memory_space<vmem>>, %arg3: memref<1024x1xf32, #tpu.memory_space<vmem>>, %arg4: memref<1x8192xf32, #tpu.memory_space<vmem>>, %arg5: memref<1x1x1024xi32, #tpu.memory_space<vmem>>, %arg6: memref<1x1xf32, #tpu.memory_space<vmem>>, %arg7: memref<1x1xf32, #tpu.memory_space<vmem>>) attributes {dimension_semantics = [#tpu.dimension_semantics<arbitrary>], iteration_bounds = array<i64: 16>, scalar_prefetch = 0 : i64, scratch_operands = 1 : i64, tpu.core_type = #tpu.core_type<tc>, window_params = [{transform_indices = @transform_0, window_bounds = array<i64: 1024, 32>}, {pipeline_mode = #tpu.pipeline_mode<synchronous>, transform_indices = @transform_1, window_bounds = array<i64: 8192, 32>}, {transform_indices = @transform_2, window_bounds = array<i64: 1024, 1>}, {pipeline_mode = #tpu.pipeline_mode<synchronous>, transform_indices = @transform_3, window_bounds = array<i64: 1, 8192>}, {transform_indices = @transform_4, window_bounds = array<i64: 1, 1, 1024>}, {pipeline_mode = #tpu.pipeline_mode<synchronous>, transform_indices = @transform_5, window_bounds = array<i64: 1, 1>}]} {
    %eq3A = arith.constant 0 : i32
    %eq3A_0 = arith.cmpi eq, %arg0, %eq3A : i32
    %convert_element_type3A = arith.extui %eq3A_0 : i1 to i32
    %cond3A = arith.constant 0 : i32
    %cond3A_1 = arith.cmpi ne, %convert_element_type3A, %cond3A : i32
    scf.if %cond3A_1 {
      %broadcast_in_dim3A = arith.constant 0.000000e+00 : f32
      %broadcast_in_dim3A_62 = vector.broadcast %broadcast_in_dim3A : f32 to vector<1x1xf32>
      %swap3A_63 = arith.constant 0 : index
      %swap3A_64 = arith.constant 0 : index
      %swap3A_65 = vector.load %arg7[%swap3A_63, %swap3A_64] : memref<1x1xf32, #tpu.memory_space<vmem>>, vector<1x1xf32>
      tpu.vector_store %arg7[%swap3A_63, %swap3A_64], %broadcast_in_dim3A_62 {strides = array<i32>} : memref<1x1xf32, #tpu.memory_space<vmem>>, vector<1x1xf32>,
    } else {
    }
    %get3A = arith.constant 0 : index
    %get3A_2 = arith.constant 0 : index
    %get3A_3 = vector.load %arg1[%get3A, %get3A_2] : memref<1024x32xf32, #tpu.memory_space<vmem>>, vector<1024x32xf32>
    %get3A_4 = arith.constant 0 : index
    %get3A_5 = arith.constant 0 : index
    %get3A_6 = vector.load %arg2[%get3A_4, %get3A_5] : memref<8192x32xf32, #tpu.memory_space<vmem>>, vector<8192x32xf32>
    %mul3A = arith.constant 2.000000e+00 : f32
    %mul3A_7 = vector.broadcast %mul3A : f32 to vector<1024x32xf32>
    %mul3A_8 = arith.mulf %mul3A_7, %get3A_3 : vector<1024x32xf32>
    %convert_element_type3A_9 = arith.truncf %mul3A_8 : vector<1024x32xf32> to vector<1024x32xbf16>
    %get3A_10 = arith.constant 0 : index
    %get3A_11 = arith.constant 0 : index
    %get3A_12 = vector.load %arg3[%get3A_10, %get3A_11] : memref<1024x1xf32, #tpu.memory_space<vmem>>, vector<1024x1xf32>
    %slice3A = vector.extract_strided_slice %get3A_6 {offsets = [0, 0], sizes = [4096, 32], strides = [1, 1]} : vector<8192x32xf32> to vector<4096x32xf32>
    %dot_general3A = arith.constant dense<0.000000e+00> : vector<1024x4096xf32>
    %dot_general3A_13 = tpu.matmul %convert_element_type3A_9, %slice3A, %dot_general3A {dimension_numbers = #tpu.dot_dimension_numbers<[1], [1], [0], [0], [0, 0, 1, 0], [], []>, transpose_lhs_hint = false} : vector<1024x32xbf16>, vector<4096x32xf32>, vector<1024x4096xf32> -> vector<1024x4096xf32>
    %sub3A = vector.broadcast %get3A_12 : vector<1024x1xf32> to vector<1024x4096xf32>
    %sub3A_14 = arith.subf %dot_general3A_13, %sub3A : vector<1024x4096xf32>
    %get3A_15 = arith.constant 0 : index
    %get3A_16 = arith.constant 0 : index
    %get3A_17 = vector.load %arg4[%get3A_15, %get3A_16] : memref<1x8192xf32, #tpu.memory_space<vmem>>, vector<1x4096xf32>
    %sub3A_18 = vector.broadcast %get3A_17 : vector<1x4096xf32> to vector<1024x4096xf32>
    %sub3A_19 = arith.subf %sub3A_14, %sub3A_18 : vector<1024x4096xf32>
    %reduce_max3A = arith.constant dense<0xFF800000> : vector<1024xf32>
    %reduce_max3A_20 = vector.multi_reduction <maximumf>, %sub3A_19, %reduce_max3A [1] : vector<1024x4096xf32> to vector<1024xf32>
    %argmax3A = tpu.reduce_index %sub3A_19 {axis = 1 : i32, kind = #tpu.reduction_kind<arg_max>} : vector<1024x4096xf32> -> vector<1024xi32>
    %slice3A_21 = vector.extract_strided_slice %get3A_6 {offsets = [4096, 0], sizes = [4096, 32], strides = [1, 1]} : vector<8192x32xf32> to vector<4096x32xf32>
    %dot_general3A_22 = arith.constant dense<0.000000e+00> : vector<1024x4096xf32>
    %dot_general3A_23 = tpu.matmul %convert_element_type3A_9, %slice3A_21, %dot_general3A_22 {dimension_numbers = #tpu.dot_dimension_numbers<[1], [1], [0], [0], [0, 0, 1, 0], [], []>, transpose_lhs_hint = false} : vector<1024x32xbf16>, vector<4096x32xf32>, vector<1024x4096xf32> -> vector<1024x4096xf32>
    %sub3A_24 = vector.broadcast %get3A_12 : vector<1024x1xf32> to vector<1024x4096xf32>
    %sub3A_25 = arith.subf %dot_general3A_23, %sub3A_24 : vector<1024x4096xf32>
    %get3A_26 = arith.constant 0 : index
    %get3A_27 = arith.constant 4096 : index
    %get3A_28 = vector.load %arg4[%get3A_26, %get3A_27] : memref<1x8192xf32, #tpu.memory_space<vmem>>, vector<1x4096xf32>
    %sub3A_29 = vector.broadcast %get3A_28 : vector<1x4096xf32> to vector<1024x4096xf32>
    %sub3A_30 = arith.subf %sub3A_25, %sub3A_29 : vector<1024x4096xf32>
    %reduce_max3A_31 = arith.constant dense<0xFF800000> : vector<1024xf32>
    %reduce_max3A_32 = vector.multi_reduction <maximumf>, %sub3A_30, %reduce_max3A_31 [1] : vector<1024x4096xf32> to vector<1024xf32>
    %argmax3A_33 = tpu.reduce_index %sub3A_30 {axis = 1 : i32, kind = #tpu.reduction_kind<arg_max>} : vector<1024x4096xf32> -> vector<1024xi32>
    %add3A = arith.constant 4096 : i32
    %add3A_34 = vector.broadcast %add3A : i32 to vector<1024xi32>
    %add3A_35 = arith.addi %argmax3A_33, %add3A_34 : vector<1024xi32>
    %convert_element_type3A_36 = arith.truncf %reduce_max3A_20 : vector<1024xf32> to vector<1024xbf16>
    %convert_element_type3A_37 = arith.extf %convert_element_type3A_36 : vector<1024xbf16> to vector<1024xf32>
    %gt3A = arith.cmpf ogt, %reduce_max3A_32, %convert_element_type3A_37 : vector<1024xf32>
    %select_n3A = arith.select %gt3A, %add3A_35, %argmax3A : vector<1024xi1>, vector<1024xi32>
    %select_n3A_38 = arith.select %gt3A, %reduce_max3A_32, %reduce_max3A_20 : vector<1024xi1>, vector<1024xf32>
    %get3A_39 = arith.constant 0 : index
    %get3A_40 = arith.constant 0 : index
    %get3A_41 = vector.load %arg7[%get3A_39, %get3A_40] : memref<1x1xf32, #tpu.memory_space<vmem>>, vector<1x1xf32>
    %neg3A = arith.constant 0.000000e+00 : f32
    %neg3A_42 = vector.broadcast %neg3A : f32 to vector<1024xf32>
    %neg3A_43 = arith.subf %neg3A_42, %select_n3A_38 : vector<1024xf32>
    %reduce_sum3A = vector.shape_cast %neg3A_43 : vector<1024xf32> to vector<1x1024xf32>
    %reduce_sum3A_44 = arith.constant dense<0.000000e+00> : vector<1xf32>
    %reduce_sum3A_45 = vector.multi_reduction <add>, %reduce_sum3A, %reduce_sum3A_44 [1] : vector<1x1024xf32> to vector<1xf32>
    %reduce_sum3A_46 = vector.shape_cast %reduce_sum3A_45 : vector<1xf32> to vector<1x1xf32>
    %reduce_sum3A_47 = vector.extract %reduce_sum3A_46[0, 0] : f32 from vector<1x1xf32>
    %reshape3A = vector.broadcast %reduce_sum3A_47 : f32 to vector<1x1xf32>
    %add3A_48 = arith.addf %get3A_41, %reshape3A : vector<1x1xf32>
    %swap3A = arith.constant 0 : index
    %swap3A_49 = arith.constant 0 : index
    %swap3A_50 = vector.load %arg7[%swap3A, %swap3A_49] : memref<1x1xf32, #tpu.memory_space<vmem>>, vector<1x1xf32>
    tpu.vector_store %arg7[%swap3A, %swap3A_49], %add3A_48 {strides = array<i32>} : memref<1x1xf32, #tpu.memory_space<vmem>>, vector<1x1xf32>,
    %swap3A_51 = arith.constant 0 : index
    %swap3A_52 = arith.constant 0 : index
    %swap3A_53 = arith.constant 0 : index
    %swap3A_54 = vector.load %arg5[%swap3A_51, %swap3A_52, %swap3A_53] : memref<1x1x1024xi32, #tpu.memory_space<vmem>>, vector<1x1x1024xi32>
    %swap3A_55 = vector.shape_cast %swap3A_54 : vector<1x1x1024xi32> to vector<1024xi32>
    %swap3A_56 = vector.shape_cast %select_n3A : vector<1024xi32> to vector<1x1x1024xi32>
    tpu.vector_store %arg5[%swap3A_51, %swap3A_52, %swap3A_53], %swap3A_56 {strides = array<i32>} : memref<1x1x1024xi32, #tpu.memory_space<vmem>>, vector<1x1x1024xi32>,
    %eq3A_57 = arith.constant 15 : i32
    %eq3A_58 = arith.cmpi eq, %arg0, %eq3A_57 : i32
    %convert_element_type3A_59 = arith.extui %eq3A_58 : i1 to i32
    %cond3A_60 = arith.constant 0 : i32
    %cond3A_61 = arith.cmpi ne, %convert_element_type3A_59, %cond3A_60 : i32
    scf.if %cond3A_61 {
      %get3A_62 = arith.constant 0 : index
      %get3A_63 = arith.constant 0 : index
      %get3A_64 = vector.load %arg7[%get3A_62, %get3A_63] : memref<1x1xf32, #tpu.memory_space<vmem>>, vector<1x1xf32>
      %div3A = arith.constant 5.242880e+05 : f32
      %div3A_65 = vector.broadcast %div3A : f32 to vector<1x1xf32>
      %div3A_66 = arith.divf %get3A_64, %div3A_65 : vector<1x1xf32>
      %mul3A_67 = arith.constant 2.500000e-01 : f32
      %mul3A_68 = vector.broadcast %mul3A_67 : f32 to vector<1x1xf32>
      %mul3A_69 = arith.mulf %mul3A_68, %div3A_66 : vector<1x1xf32>
      %add3A_70 = arith.addf %div3A_66, %mul3A_69 : vector<1x1xf32>
      %swap3A_71 = arith.constant 0 : index
      %swap3A_72 = arith.constant 0 : index
      %swap3A_73 = vector.load %arg6[%swap3A_71, %swap3A_72] : memref<1x1xf32, #tpu.memory_space<vmem>>, vector<1x1xf32>
      tpu.vector_store %arg6[%swap3A_71, %swap3A_72], %add3A_70 {strides = array<i32>} : memref<1x1xf32, #tpu.memory_space<vmem>>, vector<1x1xf32>,
    } else {
    }
    return
  }
  func.func @transform_0(%arg0: i32) -> (i32, i32) {
    %c0_i32 = arith.constant 0 : i32
    %c0_i32_0 = arith.constant 0 : i32
    return %arg0, %c0_i32 : i32, i32
  }
  func.func @transform_1(%arg0: i32) -> (i32, i32) {
    %c0_i32 = arith.constant 0 : i32
    %c0_i32_0 = arith.constant 0 : i32
    %c0_i32_1 = arith.constant 0 : i32
    return %c0_i32, %c0_i32_0 : i32, i32
  }
  func.func @transform_2(%arg0: i32) -> (i32, i32) {
    %c0_i32 = arith.constant 0 : i32
    %c0_i32_0 = arith.constant 0 : i32
    return %arg0, %c0_i32 : i32, i32
  }
  func.func @transform_3(%arg0: i32) -> (i32, i32) {
    %c0_i32 = arith.constant 0 : i32
    %c0_i32_0 = arith.constant 0 : i32
    %c0_i32_1 = arith.constant 0 : i32
    return %c0_i32, %c0_i32_0 : i32, i32
  }
  func.func @transform_4(%arg0: i32) -> (i32, i32, i32) {
    %c0_i32 = arith.constant 0 : i32
    %c0_i32_0 = arith.constant 0 : i32
    %c0_i32_1 = arith.constant 0 : i32
    return %arg0, %c0_i32, %c0_i32_0 : i32, i32, i32
  }
  func.func @transform_5(%arg0: i32) -> (i32, i32) {
    %c0_i32 = arith.constant 0 : i32
    %c0_i32_0 = arith.constant 0 : i32
    %c0_i32_1 = arith.constant 0 : i32
    return %c0_i32, %c0_i32_0 : i32, i32
  }
}

module attributes {stable_mosaic.version = 14 : i64} {
  func.func @_unused_tc_kernel(%arg0: memref<2x8192xf32, #tpu.memory_space<vmem>>, %arg1: memref<1x1xi32, #tpu.memory_space<vmem>>) attributes {dimension_semantics = [], scalar_prefetch = 0 : i64, scratch_operands = 0 : i64, tpu.core_type = #tpu.core_type<tc>} {
    %get3A = arith.constant 0 : index
    %get3A_0 = arith.constant 0 : index
    %get3A_1 = vector.load %arg0[%get3A, %get3A_0] : memref<2x8192xf32, #tpu.memory_space<vmem>>, vector<1x8192xf32>
    %get3A_2 = vector.shape_cast %get3A_1 : vector<1x8192xf32> to vector<8192xf32>
    %get3A_3 = arith.constant 1 : index
    %get3A_4 = arith.constant 0 : index
    %get3A_5 = vector.load %arg0[%get3A_3, %get3A_4] : memref<2x8192xf32, #tpu.memory_space<vmem>>, vector<1x8192xf32>
    %get3A_6 = vector.shape_cast %get3A_5 : vector<1x8192xf32> to vector<8192xf32>
    %add3A = arith.addf %get3A_2, %get3A_6 : vector<8192xf32>
    %eq3A = arith.constant 0.000000e+00 : f32
    %eq3A_7 = vector.broadcast %eq3A : f32 to vector<8192xf32>
    %eq3A_8 = arith.cmpf oeq, %add3A, %eq3A_7 : vector<8192xf32>
    %convert_element_type3A = arith.extui %eq3A_8 : vector<8192xi1> to vector<8192xi32>
    %reduce_sum3A = vector.shape_cast %convert_element_type3A : vector<8192xi32> to vector<1x8192xi32>
    %reduce_sum3A_9 = arith.constant dense<0> : vector<1xi32>
    %reduce_sum3A_10 = vector.multi_reduction <add>, %reduce_sum3A, %reduce_sum3A_9 [1] : vector<1x8192xi32> to vector<1xi32>
    %reduce_sum3A_11 = vector.shape_cast %reduce_sum3A_10 : vector<1xi32> to vector<1x1xi32>
    %reduce_sum3A_12 = vector.extract %reduce_sum3A_11[0, 0] : i32 from vector<1x1xi32>
    %reshape3A = vector.broadcast %reduce_sum3A_12 : i32 to vector<1x1xi32>
    %swap3A = arith.constant 0 : index
    %swap3A_13 = arith.constant 0 : index
    %swap3A_14 = vector.load %arg1[%swap3A, %swap3A_13] : memref<1x1xi32, #tpu.memory_space<vmem>>, vector<1x1xi32>
    tpu.vector_store %arg1[%swap3A, %swap3A_13], %reshape3A {strides = array<i32>} : memref<1x1xi32, #tpu.memory_space<vmem>>, vector<1x1xi32>,
    return
  }
}

</mosaic_0001>

<sc_bundles>
// kernel: kernel.5.cloned.1.call-start
scs
__scs_entry_jumppad:
0x0: {  	(pc) =	sbr.rel $0x88, $3  }
0x1: {  	(tag) =	ssettag $0x0;
	lr =	simm.s32 $0x1  }
0x2: {  	[smem:$0x3F9F] =	sst lr;
	_ =	strace $0xD0000000  }
0x3: {  	_ = 	snop  }
0x4: {  	_ = 	snop  }
0x5: {  	_ = 	snop  }
0x6: {  	_ = 	snop  }
0x7: {  	_ = 	snop  }
__scs_overlays_trampoline_lowered:
0x8: {  	[smem:$0x3FAE] =	sst s0  }
0x9: {  	[smem:$0x3FAF] =	sst s1  }
0xa: {  	[smem:$0x3FB0] =	sst s2  }
0xb: {  	[smem:$0x3FB1] =	sst s3  }
0xc: {  	[smem:$0x3FB2] =	sst s4  }
0xd: {  	[smem:$0x3FB3] =	sst s5  }
0xe: {  	[smem:$0x3FB4] =	sst s6  }
0xf: {  	[smem:$0x3FB5] =	sst s7  }
0x10: {  	[smem:$0x3FB6] =	sst s8  }
0x11: {  	[smem:$0x3FB7] =	sst s9;
	s0 =	simm.s32 @!p0 $0x0  }
0x12: {  	s1 =	sld [smem:$0x3F9D];
	s0 =	simm.s32 @p0 $0x1  }
0x13: {  	[smem:$0x3FB8] =	sst s0;
	s0 =	simm.s32 @!p1 $0x0  }
0x14: {  	s2 =	sld [smem:$0x3F9C];
	s0 =	simm.s32 @p1 $0x1  }
0x15: {  	[smem:$0x3FB9] =	sst s0;
	s0 =	simm.s32 @!p2 $0x0  }
0x16: {  	s3 =	sld [smem:$0x3FDB];
	s0 =	simm.s32 @p2 $0x1  }
0x17: {  	s4 =	simm.s32 $0x1BF5;
	[smem:$0x3FBB] =	sst s0  }
0x18: {  	s0 =	sld [smem:$0x3F9E];
	_ =	swait.ge [sflag:s4], $0x0  }
0x19: {  	s7 =	sld [smem:$0x3F9F]  }
0x1a: {  	s8 =	sadd.s32 $0xFFFFE003, lr  }
0x1b: {  	s9 =	sadd.s32 $0xFFFFFEF7, lr;
	s5 =	simm.s32 $0xFFFFFFFF;
	p2 =	slt.u32 s8, $0xFFFFF086  }
0x1c: {  	p1 =	slt.u32 s9, $0xF7A;
	s5 =	simm.s32 @!p2 $0x0  }
0x1d: {  	s5 =	simm.s32 @p1 $0x1;
	p0 =	seq.s32 s7, s2  }
0x1e: {  	s7 =	smul.u32 @!p0 $0xF7A, s2;
	p2 =	seq.s32 @!p0 s5, $0x0  }
0x1f: {  	s9 =	smul.u32 $0xF7A, s1;
	s8 =	simm.s32 @!p0 $0x1BF5;
	p2 =	por !p2, p0  }
0x20: {  	[sflag:s8] =	ssyncset.s32 @!p0 $0xFFFFF086;
	s6 =	sadd.s32 @!p0 s3, s7;
	s7 =	simm.s32 @!p0 $0x108  }
0x21: {  	s3 =	sadd.s32 s3, s9;
	s6 =	sadd.s32 @!p0 $0x88, s6;
	s7 =	simm.s32 @p2 $0x1082  }
0x22: {  	[simem:s7], [sflag:s8] =	dma.local @!p0 [hbm:s6], $0xF7A  }
0x23: {  	s9 =	sor.u32 $0xD0000000, s2;
	s6 =	simm.s32 $0x108;
	_ =	swait.ge @!p0 [sflag:s8], $0x0  }
0x24: {  	s3 =	sadd.s32 $0x88, s3;
	s6 =	simm.s32 @!p1 $0x1082;
	[sflag:s4] =	ssyncset.s32 $0xFFFFF086  }
0x25: {  	[simem:s6], [sflag:s4] =	dma.local [hbm:s3], $0xF7A  }
0x26: {  	[smem:$0x3F9F] =	sst s1;
	(tag) =	ssettag s2;
	_ =	strace s9  }
0x27: {  	s1 =	sld [smem:$0x3FAF]  }
0x28: {  	s2 =	sld [smem:$0x3FB0]  }
0x29: {  	s4 =	sld [smem:$0x3FB2]  }
0x2a: {  	p0 =	seq.s32 s5, $0x0;
	s5 =	sld [smem:$0x3FB3]  }
0x2b: {  	s6 =	sld [smem:$0x3FB4]  }
0x2c: {  	s7 =	sld [smem:$0x3FB5]  }
0x2d: {  	s3 =	simm.s32 $0x108;
	s8 =	sld [smem:$0x3FB6]  }
0x2e: {  	s3 =	simm.s32 @!p0 $0x1082;
	s9 =	sld [smem:$0x3FB7]  }
0x2f: {  	lr =	sadd.s32 s0, s3;
	s0 =	sld [smem:$0x3FAE]  }
0x30: {  	s3 =	sld [smem:$0x3FB1]  }
0x31: {  	[smem:$0x3FBA] =	sst s10  }
0x32: {  	s10 =	sld [smem:$0x3FB8];
	_ =	sdelay $0x3  }
0x33: {  	p0 =	seq.s32 s10, $0x1;
	s10 =	sld [smem:$0x3FBA];
	_ =	sdelay $0x3  }
0x34: {  	[smem:$0x3FBA] =	sst s10  }
0x35: {  	s10 =	sld [smem:$0x3FB9];
	_ =	sdelay $0x3  }
0x36: {  	p1 =	seq.s32 s10, $0x1;
	s10 =	sld [smem:$0x3FBA];
	_ =	sdelay $0x3  }
0x37: {  	[smem:$0x3FBA] =	sst s10  }
0x38: {  	s10 =	sld [smem:$0x3FBB]  }
0x39: {  	_ = 	snop;
	(pc) =	sbr.ind lr, $3  }
0x3a: {  	_ = 	snop  }
0x3b: {  	_ = 	snop  }
0x3c: {  	p2 =	seq.s32 s10, $0x1;
	s10 =	sld [smem:$0x3FBA]  }
0x3d: {  	_ =	shalt  }
0x3e: {  	_ =	shalt  }
0x3f: {  	_ =	shalt  }
0x40: {  	_ =	shalt  }
0x41: {  	_ =	shalt  }
0x42: {  	_ =	shalt  }
0x43: {  	_ =	shalt  }
0x44: {  	_ =	shalt  }
0x45: {  	_ =	shalt  }
0x46: {  	_ =	shalt  }
0x47: {  	_ =	shalt  }
0x48: {  	_ =	shalt  }
0x49: {  	_ =	shalt  }
0x4a: {  	_ =	shalt  }
0x4b: {  	_ =	shalt  }
0x4c: {  	_ =	shalt  }
0x4d: {  	_ =	shalt  }
0x4e: {  	_ =	shalt  }
0x4f: {  	_ =	shalt  }
0x50: {  	_ =	shalt  }
0x51: {  	_ =	shalt  }
0x52: {  	_ =	shalt  }
0x53: {  	_ =	shalt  }
0x54: {  	_ =	shalt  }
0x55: {  	_ =	shalt  }
0x56: {  	_ =	shalt  }
0x57: {  	_ =	shalt  }
0x58: {  	_ =	shalt  }
0x59: {  	_ =	shalt  }
0x5a: {  	_ =	shalt  }
0x5b: {  	_ =	shalt  }
0x5c: {  	_ =	shalt  }
0x5d: {  	_ =	shalt  }
0x5e: {  	_ =	shalt  }
0x5f: {  	_ =	shalt  }
0x60: {  	_ =	shalt  }
0x61: {  	_ =	shalt  }
0x62: {  	_ =	shalt  }
0x63: {  	_ =	shalt  }
0x64: {  	_ =	shalt  }
0x65: {  	_ =	shalt  }
0x66: {  	_ =	shalt  }
0x67: {  	_ =	shalt  }
0x68: {  	_ =	shalt  }
0x69: {  	_ =	shalt  }
0x6a: {  	_ =	shalt  }
0x6b: {  	_ =	shalt  }
0x6c: {  	_ =	shalt  }
0x6d: {  	_ =	shalt  }
0x6e: {  	_ =	shalt  }
0x6f: {  	_ =	shalt  }
0x70: {  	_ =	shalt  }
0x71: {  	_ =	shalt  }
0x72: {  	_ =	shalt  }
0x73: {  	_ =	shalt  }
0x74: {  	_ =	shalt  }
0x75: {  	_ =	shalt  }
0x76: {  	_ =	shalt  }
0x77: {  	_ =	shalt  }
0x78: {  	_ =	shalt  }
0x79: {  	_ =	shalt  }
0x7a: {  	_ =	shalt  }
0x7b: {  	_ =	shalt  }
0x7c: {  	_ =	shalt  }
0x7d: {  	_ =	shalt  }
0x7e: {  	_ =	shalt  }
0x7f: {  	_ =	shalt  }
0x80: {  	_ =	shalt  }
0x81: {  	_ =	shalt  }
0x82: {  	_ =	shalt  }
0x83: {  	_ =	shalt  }
0x84: {  	_ =	shalt  }
0x85: {  	_ =	shalt  }
0x86: {  	_ =	shalt  }
0x87: {  	_ =	shalt  }
.Lfunc_end0:
.L_simem_size_0:
called_computation_lowered:
.L_overlay_start_0:
0x88: {  	s2 =	sld [smem:$0x3FD9]  }
0x89: {  	s3 =	sld [smem:$0x3FFE];
	_ =	sdelay $0x1  }
0x8a: {  	s1 =	srdreg.scid  }
0x8b: {  	s0 =	sand.u32 $0x1, s1  }
0x8c: {  	s14 =	sshll.u32 s0, $0xA;
	s2 =	sadd.s32 s3, s2  }
0x8d: {  	s2 =	sadd.s32 s2, s14  }
0x8e: {  	[smem:$0x3FC6] =	sst s2  }
0x8f: {  	_ = 	snop  }
0x90: {  	s2 =	sld [smem:$0x3FD0];
	_ =	sdelay $0x2  }
0x91: {  	s15 =	simm.s32 $0xA;
	s4 =	simm.s32 $0x10  }
0x92: {  	[smem:s4], [sflag:s15] =	dma.local [hbm:s2], $0x1  }
0x93: {  	_ =	swait.eq [sflag:s15], $0x1  }
0x94: {  	[sflag:s15] =	ssyncset.done $0x0  }
0x95: {  	[sflag:s15] =	ssyncadd.s32 $0xFFFFFFFF  }
0x96: {  	s16 =	sld [smem:$0x10];
	(tm) =	ssettm $0x1  }
0x97: {  	s17 =	sld [smem:$0x3FFB];
	_ =	sdelay $0x3  }
0x98: {  	_ =	strace s17  }
0x99: {  	s3 =	sld [smem:$0x3FFC];
	_ =	sdelay $0x3  }
0x9a: {  	_ =	strace s3  }
0x9b: {  	s3 =	sld [smem:$0x3FFD];
	_ =	sdelay $0x3  }
0x9c: {  	_ =	strace s3  }
0x9d: {  	_ =	strace $0x8FFFFFFF  }
0x9e: {  	s18 =	sld [smem:$0x3FDB];
	_ =	sdelay $0x1  }
0x9f: {  	s19 =	simm.s32 $_scs_section_size  }
0xa0: {  	s5 =	simm.s32 $_size__tile_overlayer_lowered;
	s6 =	simm.s32 $_tile_overlayer_lowered  }
0xa1: {  	s22 =	simm.s32 $0x1BFF;
	s21 =	sshll.u32 s6, $0x1;
	s3 =	sadd.s32 s19, s18  }
0xa2: {  	s7 =	simm.s32 $0x0;
	s20 =	sshll.u32 s5, $0x1;
	s5 =	sadd.s32 s21, s3  }
0xa3: {  	[timem:s7], [sflag:s22] =	dma.local [hbm:s5], s20  }
0xa4: {  	_ =	swait.ge [sflag:s22], s20  }
0xa5: {  	s4 =	ssub.s32 $0x0, s20;
	[sflag:s22] =	ssyncset.done $0x0  }
0xa6: {  	[sflag:s22] =	ssyncadd.s32 s4;
	_ =	sdelay $0x1  }
0xa7: {  	s23 =	simm.s32 $0x1B8B  }
0xa8: {  	_ =	swait.ge [sflag:s23], $0x1  }
0xa9: {  	[sflag:s23] =	ssyncset.done $0x0  }
0xaa: {  	s25 =	simm.s32 $0x1B8E;
	s24 =	sld [smem:$0x3FFE];
	[sflag:s23] =	ssyncadd.s32 $0xFFFFFFFF  }
0xab: {  	s26 =	simm.s32 $execute0_lowered;
	[smem:$0x3FD2] =	sst s25  }
0xac: {  	s5 =	sshll.u32 s26, $0x1;
	_ =	strace $0x80000046;
	[dreg:$0x1] =	wrdreg $0xFFFFFFFF  }
0xad: {  	s28 =	simm.s32 $_size_execute0_lowered;
	s3 =	sadd.s32 s3, s5;
	[dreg:$0x0] =	wrdreg $0x0  }
0xae: {  	s5 =	sshll.u32 s28, $0x1;
	[dreg:$0x2] =	wrdreg s3  }
0xaf: {  	[dreg:$0x3] =	wrdreg s5  }
0xb0: {  	[dreg:$0x4] =	wrdreg $0xC0  }
0xb1: {  	_ =	task [dreg:s7], $0x5FFFF  }
0xb2: {  	[dreg:$0x1] =	wrdreg $0xFFFFFFFF  }
0xb3: {  	[dreg:$0x0] =	wrdreg $0x60  }
0xb4: {  	[dreg:$0x2] =	wrdreg s24  }
0xb5: {  	[dreg:$0x3] =	wrdreg s16  }
0xb6: {  	[dreg:$0x4] =	wrdreg $0x104000  }
0xb7: {  	[dreg:$0x5] =	wrdreg $0x9  }
0xb8: {  	_ =	task.clear_ibuf [dreg:s7], $0x6FFFF;
	_ =	strace $0x90000046  }
0xb9: {  	s29 =	simm.s32 $0x9;
	_ =	strace $0x80000048  }
0xba: {  	_ =	swait.ge [sflag:s29], $0x1  }
0xbb: {  	[sflag:s29] =	ssyncadd.s32 $0xFFFFFFFF  }
0xbc: {  	_ =	strace $0x90000048  }
0xbd: {  	_ =	sfence  }
0xbe: {  	s30 =	sld [smem:$0x0];
	_ =	sdelay $0x2  }
0xbf: {  	s31 =	sshll.u32 s1, $0xD;
	s1 =	sshrl.u32 s1, $0x2  }
0xc0: {  	s3 =	sand.u32 $0x4000, s31;
	s1 =	sadd.s32 s1, s30  }
0xc1: {  	s0 =	sor.u32 s3, s0;
	s1 =	sshll.u32 s1, $0x11  }
0xc2: {  	s0 =	sor.u32 s1, s0  }
0xc3: {  	s0 =	sadd.s32 $0x8F2B, s0  }
0xc4: {  	[sflag:s0] =	ssyncadd.remote.s32 $0x1  }
0xc5: {  	_ =	sfence.sel $0xFFFF  }
0xc6: {  	[dreg:$0x0] =	wrdreg $0xFFFFFFFF;
	(pc) =	sbr.abs _section_cstart, $3  }
0xc7: {  	[dreg:$0x1] =	wrdreg $0xFFFFFFFF  }
0xc8: {  	_ =	task.clear_ibuf [dreg:s7], $0x2FFFF;
	_ =	strace $0x9FFFFFFF  }
0xc9: {  	(tm) =	ssettm $0x7FFFFFFF  }
tec
execute0_lowered:
.L_overlay_start_1:
0x0: {  	(tag) =	ssettag $0x1  }
0x1: {  	s3 =	rddreg [dreg:$0x0]  }
0x2: {  	s4 =	rddreg [dreg:$0x1];
	s5 =	srdreg.scid  }
0x3: {  	s1 =	rddreg [dreg:$0x2];
	s8 =	sand.u32 $0x1, s5  }
0x4: {  	s0 =	rddreg [dreg:$0x3];
	s2 =	simm.s32 $0x0;
	s12 =	ssub.s32 $0x2, s8  }
0x5: {  	s6 =	stileid.u32;
	p1 =	por $0x0, $0x0;
	s13 =	sshrl.u32 s12, $0x1  }
0x6: {  	[smem:$0x7FF] =	sst s2;
	s30 =	sshll.u32 s6, $0xA;
	s13 =	ssub.s32 s12, s13  }
0x7: {  	s5 =	sadd.s32 $0x800, s3;
	s11 =	sadd.s32 $0x20800, s3;
	s31 =	smax.u32 s13, $0x1  }
0x8: {  	p0 =	sne.s32 s6, $0x0;
	s6 =	simm.s32 $0x2;
	s16 =	sadd.s32 $0xFFFFFFFF, s31  }
0x9: {  	s7 =	sshll.u32 s8, $0x9;
	_ =	strace $0x80000047;
	p2 =	sne.s32 s16, $0x0  }
.Ltmp0:
0xa: {  	s8 =	sshll.u32 s8, $0x4;
	s9 =	sor.u32 s7, s30;
	(pc) =	sbr.rel @!p2 .LBB2_3-.Ltmp0, $4  }
0xb: {  	s7 =	sadd.s32 $0x20C00, s3;
	s10 =	sshll.u32 s9, $0x4;
	s9 =	sshrl.u32 s9, $0x3  }
0xc: {  	s10 =	sadd.s32 s10, s3;
	s3 =	sadd.s32 s8, s3;
	s12 =	sadd.s32 s4, s9  }
0xd: {  	s4 =	sshrl.u32 @!p0 s1, $0x3;
	s9 =	simm.s32 $0x10200;
	s13 =	simm.s32 $0x1  }
0xe: {  	s8 =	sadd.s32 $0x20E00, s10;
	s3 =	sadd.s32 $0x60E00, s3;
	s10 =	simm.s32 $0x200  }
0xf: {  	s15 =	simm.s32 @!p0 $0x1C02;
	s14 =	simm.s32 @!p0 $0x2  }
0x10: {  	[spmem:s4], [sflag:s15] =	dma.local @!p0 [hbm:s11], $0x400  }
0x11: {  	_ =	swait.ge @!p0 [sflag:s14], $0x400  }
0x12: {  	[sflag:s14] =	ssyncset.done @!p0 $0x0  }
0x13: {  	[sflag:s14] =	ssyncadd.s32 @!p0 $0xFFFFFC00  }
0x14: {  	[tilespmem:s2], [sflag:$0x2] =	stream.linear.gather [hbm4b:s12+s2], $0x200, $0x38;
	[tilespmem:$0x10600] =	vst v63  }
0x15: {  	_ =	swait.ge [sflag:s6], $0x200  }
0x16: {  	[sflag:s6] =	ssyncset.done $0x0  }
0x17: {  	[sflag:s6] =	ssyncadd.s32 $0xFFFFFE00  }
0x18: {  	[tilespmem:s9], [sflag:$0x2] =	stream.linear.gather [hbm4b:s7+s2], $0x200, $0x38;
	[tilespmem:$0x10600] =	vst v63  }
0x19: {  	_ =	swait.ge [sflag:s6], $0x200  }
0x1a: {  	[sflag:s6] =	ssyncset.done $0x0  }
0x1b: {  	[sflag:s6] =	ssyncadd.s32 $0xFFFFFE00  }
0x1c: {  	[tilespmem:s10], [sflag:$0x1] =	stream.indirect.gather [hbm4b:s5+s10], $0x80, s2, s10, $0xb8;
	[tilespmem:$0x10600] =	vst v63  }
0x1d: {  	_ =	swait.ge [sflag:s13], $0x10000  }
0x1e: {  	[sflag:s13] =	ssyncset.done $0x0  }
0x1f: {  	[sflag:s13] =	ssyncadd.s32 $0xFFFF0000  }
0x20: {  	[hbm4b:s8+s2] =	stream.linear.scatter [tilespmem:s10], [sflag:$0x2], $0x10000, $0x38;
	[tilespmem:$0x10600] =	vst v63  }
0x21: {  	_ =	swait.ge [sflag:s6], $0x10000  }
0x22: {  	[sflag:s6] =	ssyncset.done $0x0  }
0x23: {  	[sflag:s6] =	ssyncadd.s32 $0xFFFF0000  }
0x24: {  	[bflag:$0x0] =	sbarrier.arrive $0xFFFF  }
0x25: {  	[spmem:s1] =	stream.indirect.scatter.add.f32 [tilespmem:s9], [sflag:$0x2], $0x1, s2, s10, $0xb8;
	[tilespmem:$0x10600] =	vst v63  }
0x26: {  	s16 =	sadd.s32 $0xFFFFFFFF, s16;
	_ =	swait.ge [sflag:s6], $0x200  }
0x27: {  	p2 =	sne.s32 s16, $0x0;
	[sflag:s6] =	ssyncset.done $0x0  }
.Ltmp1:
0x28: {  	s17 =	simm.s32 @!p0 $0x10;
	[sflag:s6] =	ssyncadd.s32 $0xFFFFFE00;
	(pc) =	sbr.rel @!p2 .LBB2_3-.Ltmp1, $4  }
0x29: {  	s18 =	simm.s32 @!p0 $0x1;
	s19 =	simm.s32 @!p0 $0x20;
	[bflag:$0x0] =	sbarrier.arrive $0xFFFF  }
0x2a: {  	[hbm:s3@s19], [sflag:s15] =	dma.strided @!p0 [spmem:s4@s17], $0x400, s18, $0x10   }
0x2b: {  	_ =	swait.ge @!p0 [sflag:s14], $0x400  }
0x2c: {  	p1 =	por $0x1, $0x1;
	[sflag:s14] =	ssyncset.done @!p0 $0x0  }
.LBB2_2:
0x2d: {  	[sflag:s14] =	ssyncadd.s32 @!p0 $0xFFFFFC00  }
0x2e: {  	[spmem:s4], [sflag:s15] =	dma.local @!p0 [hbm:s11], $0x400  }
0x2f: {  	s16 =	sadd.s32 $0xFFFFFFFF, s16;
	_ =	swait.ge @!p0 [sflag:s14], $0x400  }
0x30: {  	p2 =	sne.s32 s16, $0x0;
	[sflag:s14] =	ssyncset.done @!p0 $0x0  }
0x31: {  	[sflag:s14] =	ssyncadd.s32 @!p0 $0xFFFFFC00  }
0x32: {  	[tilespmem:s2], [sflag:$0x2] =	stream.linear.gather [hbm4b:s12+s2], $0x200, $0x38;
	[tilespmem:$0x10600] =	vst v63  }
0x33: {  	_ =	swait.ge [sflag:s6], $0x200  }
0x34: {  	[sflag:s6] =	ssyncset.done $0x0  }
0x35: {  	[sflag:s6] =	ssyncadd.s32 $0xFFFFFE00  }
0x36: {  	[tilespmem:s9], [sflag:$0x2] =	stream.linear.gather [hbm4b:s7+s2], $0x200, $0x38;
	[tilespmem:$0x10600] =	vst v63  }
0x37: {  	_ =	swait.ge [sflag:s6], $0x200  }
0x38: {  	[sflag:s6] =	ssyncset.done $0x0  }
0x39: {  	[sflag:s6] =	ssyncadd.s32 $0xFFFFFE00  }
0x3a: {  	[tilespmem:s10], [sflag:$0x1] =	stream.indirect.gather [hbm4b:s5+s10], $0x80, s2, s10, $0xb8;
	[tilespmem:$0x10600] =	vst v63  }
0x3b: {  	_ =	swait.ge [sflag:s13], $0x10000  }
0x3c: {  	[sflag:s13] =	ssyncset.done $0x0  }
0x3d: {  	[sflag:s13] =	ssyncadd.s32 $0xFFFF0000  }
0x3e: {  	[hbm4b:s8+s2] =	stream.linear.scatter [tilespmem:s10], [sflag:$0x2], $0x10000, $0x38;
	[tilespmem:$0x10600] =	vst v63  }
0x3f: {  	_ =	swait.ge [sflag:s6], $0x10000  }
0x40: {  	[sflag:s6] =	ssyncset.done $0x0  }
0x41: {  	[sflag:s6] =	ssyncadd.s32 $0xFFFF0000  }
0x42: {  	[bflag:$0x0] =	sbarrier.arrive $0xFFFF  }
0x43: {  	[spmem:s1] =	stream.indirect.scatter.add.f32 [tilespmem:s9], [sflag:$0x2], $0x1, s2, s10, $0xb8;
	[tilespmem:$0x10600] =	vst v63  }
0x44: {  	_ =	swait.ge [sflag:s6], $0x200  }
0x45: {  	[sflag:s6] =	ssyncset.done $0x0  }
.Ltmp2:
0x46: {  	[sflag:s6] =	ssyncadd.s32 $0xFFFFFE00;
	(pc) =	sbr.rel @p2 .LBB2_2-.Ltmp2, $4  }
0x47: {  	[bflag:$0x0] =	sbarrier.arrive $0xFFFF  }
0x48: {  	[hbm:s3@s19], [sflag:s15] =	dma.strided @!p0 [spmem:s4@s17], $0x400, s18, $0x10   }
0x49: {  	_ =	swait.ge @!p0 [sflag:s14], $0x400  }
0x4a: {  	[sflag:s14] =	ssyncset.done @!p0 $0x0  }
.LBB2_3:
0x4b: {  	p1 =	por p0, !p1  }
0x4c: {  	s15 =	simm.s32 @!p0 $0x1C02;
	s16 =	simm.s32 @!p0 $0x2;
	[sflag:s14] =	ssyncadd.s32 @!p1 $0xFFFFFC00  }
0x4d: {  	[spmem:s4], [sflag:s15] =	dma.local @!p0 [hbm:s11], $0x400  }
0x4e: {  	_ =	swait.ge @!p0 [sflag:s16], $0x400  }
0x4f: {  	[sflag:s16] =	ssyncset.done @!p0 $0x0  }
0x50: {  	[sflag:s16] =	ssyncadd.s32 @!p0 $0xFFFFFC00  }
0x51: {  	[tilespmem:s2], [sflag:$0x2] =	stream.linear.gather [hbm4b:s12+s2], $0x200, $0x38;
	[tilespmem:$0x10600] =	vst v63  }
0x52: {  	_ =	swait.ge [sflag:s6], $0x200  }
0x53: {  	[sflag:s6] =	ssyncset.done $0x0  }
0x54: {  	[sflag:s6] =	ssyncadd.s32 $0xFFFFFE00  }
0x55: {  	[tilespmem:s9], [sflag:$0x2] =	stream.linear.gather [hbm4b:s7+s2], $0x200, $0x38;
	[tilespmem:$0x10600] =	vst v63  }
0x56: {  	_ =	swait.ge [sflag:s6], $0x200  }
0x57: {  	[sflag:s6] =	ssyncset.done $0x0  }
0x58: {  	[sflag:s6] =	ssyncadd.s32 $0xFFFFFE00  }
0x59: {  	[tilespmem:s10], [sflag:$0x1] =	stream.indirect.gather [hbm4b:s5+s10], $0x80, s2, s10, $0xb8;
	[tilespmem:$0x10600] =	vst v63  }
0x5a: {  	_ =	swait.ge [sflag:s13], $0x10000  }
0x5b: {  	[sflag:s13] =	ssyncset.done $0x0  }
0x5c: {  	[sflag:s13] =	ssyncadd.s32 $0xFFFF0000  }
0x5d: {  	[hbm4b:s8+s2] =	stream.linear.scatter [tilespmem:s10], [sflag:$0x2], $0x10000, $0x38;
	[tilespmem:$0x10600] =	vst v63  }
0x5e: {  	_ =	swait.ge [sflag:s6], $0x10000  }
0x5f: {  	[sflag:s6] =	ssyncset.done $0x0  }
0x60: {  	[sflag:s6] =	ssyncadd.s32 $0xFFFF0000  }
0x61: {  	[bflag:$0x0] =	sbarrier.arrive $0xFFFF  }
0x62: {  	[spmem:s1] =	stream.indirect.scatter.add.f32 [tilespmem:s9], [sflag:$0x2], $0x1, s2, s10, $0xb8;
	[tilespmem:$0x10600] =	vst v63  }
0x63: {  	_ =	swait.ge [sflag:s6], $0x200  }
0x64: {  	[sflag:s6] =	ssyncset.done $0x0  }
0x65: {  	s5 =	simm.s32 @!p0 $0x20;
	[sflag:s6] =	ssyncadd.s32 $0xFFFFFE00  }
0x66: {  	s1 =	simm.s32 @!p0 $0x10;
	s2 =	simm.s32 @!p0 $0x1;
	[bflag:$0x0] =	sbarrier.arrive $0xFFFF  }
0x67: {  	[hbm:s3@s5], [sflag:s15] =	dma.strided @!p0 [spmem:s4@s1], $0x400, s2, $0x10   }
0x68: {  	_ =	swait.ge @!p0 [sflag:s16], $0x400  }
0x69: {  	[sflag:s16] =	ssyncset.done @!p0 $0x0  }
0x6a: {  	[sflag:s16] =	ssyncadd.s32 @!p0 $0xFFFFFC00  }
0x6b: {  	_ =	sfence.sel $0x180000  }
0x6c: {  	[bflag:$0x0] =	sbarrier.arrive $0xFFFF  }
0x6d: {  	_ =	strace $0x90000047  }
0x6e: {  	s0 =	sadd.s32 @!p0 $0x100000, s0;
	[bflag:$0x2] =	sbarrier.arrive $0xFFFF  }
0x6f: {  	[sflag:s0] =	ssyncadd.tile.s32 @!p0 $0x1;
	_ =	shalt  }
.Lfunc_end2:
_tile_overlayer_lowered:
.L_overlay_start_2:
0x70: {  	(tag) =	ssettag $0x2  }
0x71: {  	s0 =	rddreg [dreg:$0x0];
	s2 =	stileid.u32  }
0x72: {  	s1 =	rddreg [dreg:$0x1];
	p0 =	sne.s32 s2, $0x0  }
0x73: {  	s3 =	rddreg [dreg:$0x2];
	[bflag:$0x3] =	sbarrier.arrive $0xFFFF;
	s2 =	simm.s32 @!p0 $0x1C02  }
0x74: {  	[timem:s3], [sflag:s2] =	dma.local @!p0 [hbm:s0], s1  }
0x75: {  	s0 =	simm.s32 @!p0 $0x2  }
0x76: {  	_ =	swait.ge @!p0 [sflag:s0], s1  }
0x77: {  	s1 =	ssub.s32 @!p0 $0x0, s1;
	[sflag:s0] =	ssyncset.done @!p0 $0x0  }
0x78: {  	[sflag:s0] =	ssyncadd.s32 @!p0 s1  }
0x79: {  	[bflag:$0x3] =	sbarrier.arrive $0xFFFF  }
0x7a: {  	_ =	shalt  }

</sc_bundles>
